<compile_context>
chip_gen: v7x
topology: tpu7x:2x2x1
jax: 0.10.2.dev20260603
libtpu: 0.0.44.dev20260713+nightly
codegen_flags: <defaults>
</compile_context>

<pallas_src>
import dataclasses
import functools

import jax
import jax.numpy as jnp
from jax import lax
from jax.experimental import pallas as pl
from jax.experimental.pallas import tpu as pltpu
from jax.experimental.pallas import tpu_sc as plsc

N = 10000
E = 320000
D = 128

NC = 2
NS = 16
NW = NC * NS

CHUNK = 128
CPT = 80
TOT_CH = NW * CPT
EP = TOT_CH * CHUNK

NP = 10112
RPT = NP // NS
PAD_LO = N

_mesh = plsc.VectorSubcoreMesh(core_axis_name="c", subcore_axis_name="s")
_f32 = jnp.float32
EPT = CPT * CHUNK

_cp = pltpu.CompilerParams()
if "needs_layout_passes" in pltpu.CompilerParams.__dataclass_fields__:
    _cp = dataclasses.replace(_cp, needs_layout_passes=False)



@jax.jit
def _sc_degree(colf):

    @functools.partial(
        pl.kernel,
        mesh=_mesh,
        compiler_params=_cp,
        out_type=jax.ShapeDtypeStruct((NW, NP), _f32),
        scratch_types=[
            pltpu.VMEM((EPT,), jnp.int32),
            pltpu.VMEM((NP,), _f32),
        ],
    )
    def deg_kernel(colf_hbm, out_hbm, idx_v, hist_v):
        c = lax.axis_index("c")
        s = lax.axis_index("s")
        w = c * NS + s
        zero = jnp.zeros((16,), _f32)

        @pl.loop(0, NP // 16)
        def _(i):
            hist_v[pl.ds(i * 16, 16)] = zero

        pltpu.sync_copy(colf_hbm.at[pl.ds(w * EPT, EPT)], idx_v)
        ones = jnp.ones((16,), _f32)

        @pl.loop(0, EPT // 16)
        def _(j):
            idx = idx_v[pl.ds(j * 16, 16)]
            plsc.addupdate_scatter(hist_v, [idx], ones)

        pltpu.sync_copy(hist_v, out_hbm.at[w])

    return deg_kernel(colf)


@jax.jit
def _sc_propagate(g, row3, col3, zeros_nd):

    @functools.partial(
        pl.kernel,
        mesh=_mesh,
        out_type=jax.ShapeDtypeStruct((NC, NP, D), _f32),
        scratch_types=[
            pltpu.VMEM((CPT, CHUNK), jnp.int32),
            pltpu.VMEM((1, CHUNK), jnp.int32),
            pltpu.VMEM((1, CHUNK), jnp.int32),
            pltpu.VMEM((CHUNK, D), _f32),
            pltpu.VMEM((CHUNK, D), _f32),
            pltpu.SemaphoreType.DMA,
            pltpu.SemaphoreType.DMA,
            pltpu.SemaphoreType.DMA,
            pltpu.SemaphoreType.DMA,
            pltpu.VMEM_SHARED((NP, D), _f32),
        ],
    )
    def prop_kernel(g_hbm, row_hbm, col_hbm, z_hbm, out_hbm,
                    cols_v, idxr0, idxr1, buf0, buf1,
                    sem0, sem1, semi0, semi1, acc_sh):
        c = lax.axis_index("c")
        s = lax.axis_index("s")
        w = c * NS + s

        def i_start(ch, idxr, semi):
            pltpu.async_copy(row_hbm.at[w, pl.ds(ch, 1)], idxr, semi)

        def i_wait(ch, idxr, semi):
            pltpu.make_async_copy(row_hbm.at[w, pl.ds(ch, 1)], idxr,
                                  semi).wait()

        def g_start(idxr, buf, sem):
            pltpu.async_copy(g_hbm.at[idxr.at[0]], buf, sem)

        def g_wait(idxr, buf, sem):
            pltpu.make_async_copy(g_hbm.at[idxr.at[0]], buf, sem).wait()

        def s_add(ch, buf):
            pltpu.sync_copy(buf, acc_sh.at[cols_v.at[ch]], add=True)

        pltpu.sync_copy(col_hbm.at[w], cols_v)
        pltpu.sync_copy(z_hbm.at[pl.ds(s * RPT, RPT)],
                        acc_sh.at[pl.ds(s * RPT, RPT)])
        plsc.subcore_barrier()

        i_start(0, idxr0, semi0)
        i_start(1, idxr1, semi1)
        i_wait(0, idxr0, semi0)
        g_start(idxr0, buf0, sem0)
        i_wait(1, idxr1, semi1)
        g_start(idxr1, buf1, sem1)

        @pl.loop(0, CPT // 2)
        def _(i):
            a = 2 * i
            g_wait(idxr0, buf0, sem0)

            @pl.when(a + 2 < CPT)
            def _():
                i_start(a + 2, idxr0, semi0)

            s_add(a, buf0)

            @pl.when(a + 2 < CPT)
            def _():
                i_wait(a + 2, idxr0, semi0)
                g_start(idxr0, buf0, sem0)

            g_wait(idxr1, buf1, sem1)

            @pl.when(a + 3 < CPT)
            def _():
                i_start(a + 3, idxr1, semi1)

            s_add(a + 1, buf1)

            @pl.when(a + 3 < CPT)
            def _():
                i_wait(a + 3, idxr1, semi1)
                g_start(idxr1, buf1, sem1)

        plsc.subcore_barrier()
        pltpu.sync_copy(acc_sh.at[pl.ds(s * RPT, RPT)],
                        out_hbm.at[c, pl.ds(s * RPT, RPT)])

    return prop_kernel(g, row3, col3, zeros_nd)



@jax.jit
def _tc_norm_scale(degparts, xp):

    def body(dp_ref, x_ref, dinv_ref, dinv2_ref, g0_ref):
        deg = jnp.sum(dp_ref[...], axis=0) + 1.0
        dinv = lax.rsqrt(jnp.maximum(deg, 1.0))
        dinv_ref[0, :] = dinv
        dinv2_ref[0, :] = dinv * dinv
        g0_ref[...] = x_ref[...] * dinv[:, None]

    return pl.pallas_call(
        body,
        out_shape=(
            jax.ShapeDtypeStruct((1, NP), _f32),
            jax.ShapeDtypeStruct((1, NP), _f32),
            jax.ShapeDtypeStruct((NP, D), _f32),
        ),
    )(degparts, xp)


@jax.jit
def _tc_mid_scale(t1, g0, dinv2):

    def body(t_ref, g_ref, d2_ref, out_ref):
        acc = t_ref[0] + t_ref[1] + g_ref[...]
        out_ref[...] = acc * d2_ref[0, :][:, None]

    return pl.pallas_call(
        body, out_shape=jax.ShapeDtypeStruct((NP, D), _f32),
    )(t1, g0, dinv2)


@jax.jit
def _tc_final(t2, g1, dinv, W, b):

    def body(t_ref, g_ref, d_ref, w_ref, b_ref, out_ref):
        h2 = (t_ref[0] + t_ref[1] + g_ref[...]) * d_ref[0, :][:, None]
        out_ref[...] = lax.dot_general(
            h2[:N], w_ref[...],
            dimension_numbers=(((1,), (1,)), ((), ())),
            preferred_element_type=_f32,
        ) + b_ref[...][None, :]

    return pl.pallas_call(
        body, out_shape=jax.ShapeDtypeStruct((N, D), _f32),
    )(t2, g1, dinv, W, b)



def kernel(x, edge_index, W, b):
    row = edge_index[0].astype(jnp.int32)
    col = edge_index[1].astype(jnp.int32)

    npad = EP - E
    pad_idx = (PAD_LO + jnp.arange(npad, dtype=jnp.int32) % (NP - N))
    colf = jnp.concatenate([col, pad_idx])
    row3 = jnp.concatenate([row, pad_idx]).reshape(NW, CPT, CHUNK)
    col3 = colf.reshape(NW, CPT, CHUNK)

    xp = jnp.pad(x, ((0, NP - N), (0, 0)))
    zeros_nd = jnp.zeros((NP, D), _f32)

    degparts = _sc_degree(colf)
    dinv, dinv2, g0 = _tc_norm_scale(degparts, xp)
    t1 = _sc_propagate(g0, row3, col3, zeros_nd)
    g1 = _tc_mid_scale(t1, g0, dinv2)
    t2 = _sc_propagate(g1, row3, col3, zeros_nd)
    return _tc_final(t2, g1, dinv, W, b)

# --- scband reference (transcript-rebuilt; emitter-appended) ---
"""Pipeline reference for scband-py-g-sgc-32495722562261 (READ-ONLY COPY).

The authoritative reference and input builder live on the scoring server;
editing this copy changes nothing except your own understanding.
"""

import jax, jax.numpy as jnp
import numpy as np

N = 10000
E = 320000
D_IN = 128
D_OUT = 128
K = 2

def setup_inputs(seed: int = 0) -> dict:
    key = jax.random.key(seed)
    k1, k2, k3 = jax.random.split(key, 3)
    x = jax.random.normal(k1, (N, D_IN), dtype=jnp.float32)
    edge_index = jax.random.randint(k2, (2, E), 0, N, dtype=jnp.int32)
    # SGConv internal Linear(in_feats, out_feats, bias=True)
    W = jax.random.normal(k3, (D_OUT, D_IN), dtype=jnp.float32) * 0.02
    b = jnp.zeros((D_OUT,), dtype=jnp.float32)
    return {"x": x, "edge_index": edge_index, "W": W, "b": b}

def reference(x, edge_index, W, b):
    # PyG SGConv(K=2): x' = Linear( (D^-1/2 (A+I) D^-1/2)^K x )
    row = edge_index[0]
    col = edge_index[1]
    # add self loops
    loop = jnp.arange(N, dtype=row.dtype)
    row = jnp.concatenate([row, loop])
    col = jnp.concatenate([col, loop])
    ew = jnp.ones(row.shape[0], dtype=x.dtype)
    # gcn_norm: degree computed on destination (col)
    deg = jnp.zeros((N,), dtype=x.dtype).at[col].add(ew)
    deg_inv_sqrt = jnp.where(deg > 0, jax.lax.rsqrt(jnp.where(deg > 0, deg, 1.0)), 0.0)
    norm = deg_inv_sqrt[row] * ew * deg_inv_sqrt[col]
    h = x
    for _ in range(K):
        msg = norm[:, None] * jnp.take(h, row, axis=0)   # gather from source
        h = jnp.zeros_like(h).at[col].add(msg)           # scatter-add to target
    out = h @ W.T + b
    return out

if __name__ == "__main__":
    import jax
    _d = setup_inputs()
    print(jax.jit(kernel)(*tuple(_d.values())))

</pallas_src>

<mosaic_0001>
#map = affine_map<(d0, d1) -> (0)>
#map1 = affine_map<(d0, d1) -> (0, 0)>
module attributes {stable_mosaic.version = 14 : i64} {
  func.func @deg_kernel(%arg0: i32, %arg1: i32, %arg2: memref<327680xi32, #tpu.memory_space<hbm>>, %arg3: memref<32x10112xf32, #tpu.memory_space<hbm>>, %arg4: memref<10240xi32, #tpu.memory_space<vmem>>, %arg5: memref<10112xf32, #tpu.memory_space<vmem>>) attributes {dimension_semantics = [#tpu.dimension_semantics<core_parallel>, #tpu.dimension_semantics<subcore_parallel>], iteration_bounds = array<i64: 2, 16>, scalar_prefetch = 0 : i64, scratch_operands = 2 : i64, tpu.core_type = #tpu.core_type<sc_vector_subcore>, window_params = [{transform_indices = #map}, {transform_indices = #map1}]} {
    %mul3A = arith.constant 16 : i32
    %mul3A_0 = arith.muli %arg0, %mul3A : i32
    %add3A = arith.addi %mul3A_0, %arg1 : i32
    %broadcast_in_dim3A = arith.constant 0.000000e+00 : f32
    %broadcast_in_dim3A_1 = vector.broadcast %broadcast_in_dim3A : f32 to vector<16xf32>
    %scan3A = arith.constant 0 : i32
    %scan3A_2 = arith.constant 632 : i32
    %scan3A_3 = arith.addi %scan3A, %scan3A_2 : i32
    %scan3A_4 = arith.constant 1 : i32
    scf.for %scan3A_15 = %scan3A to %scan3A_3 step %scan3A_4  : i32 {
      %mul3A_16 = arith.constant 1 : i32
      %mul3A_17 = arith.muli %scan3A_15, %mul3A_16 : i32
      %add3A_18 = arith.constant 0 : i32
      %add3A_19 = arith.addi %add3A_18, %mul3A_17 : i32
      %mul3A_20 = arith.constant 16 : i32
      %mul3A_21 = arith.muli %add3A_19, %mul3A_20 : i32
      %swap3A = arith.index_cast %mul3A_21 : i32 to index
      %swap3A_22 = tpu.vector_load %arg5[%swap3A] {strides = array<i32>} : memref<10112xf32, #tpu.memory_space<vmem>>, vector<16xf32>,
      tpu.vector_store %arg5[%swap3A], %broadcast_in_dim3A_1 {strides = array<i32>} : memref<10112xf32, #tpu.memory_space<vmem>>, vector<16xf32>,
    }
    %scan3A_5 = arith.constant 632 : i32
    %mul3A_6 = arith.constant 10240 : i32
    %mul3A_7 = arith.muli %add3A, %mul3A_6 : i32
    "tpu.region"() ({
      %run_scoped3A = tpu.sem_alloc : memref<!tpu.dma_semaphore, #tpu.memory_space<semaphore_mem>>
      %dma_start3A = tpu.memref_slice %arg2[%mul3A_7] : memref<327680xi32, #tpu.memory_space<hbm>> -> memref<10240xi32, #tpu.memory_space<hbm>>
      %dma_start3A_15 = tpu.memref_slice %arg2[%mul3A_7] : memref<327680xi32, #tpu.memory_space<hbm>> -> memref<10240xi32, #tpu.memory_space<hbm>>
      tpu.enqueue_dma source(%dma_start3A_15 : memref<10240xi32, #tpu.memory_space<hbm>>) target(%arg4 : memref<10240xi32, #tpu.memory_space<vmem>>) target_semaphore(%run_scoped3A : memref<!tpu.dma_semaphore, #tpu.memory_space<semaphore_mem>>)
      %dma_wait3A = tpu.memref_slice %arg2[%mul3A_7] : memref<327680xi32, #tpu.memory_space<hbm>> -> memref<10240xi32, #tpu.memory_space<hbm>>
      %dma_wait3A_16 = tpu.memref_slice %arg2[%mul3A_7] : memref<327680xi32, #tpu.memory_space<hbm>> -> memref<10240xi32, #tpu.memory_space<hbm>>
      tpu.wait_dma2 semaphore(%run_scoped3A : memref<!tpu.dma_semaphore, #tpu.memory_space<semaphore_mem>>) src(%dma_wait3A_16 : memref<10240xi32, #tpu.memory_space<hbm>>) dst(%arg4 : memref<10240xi32, #tpu.memory_space<vmem>>)
      tpu.yield
    }) : () -> ()
    %broadcast_in_dim3A_8 = arith.constant 1.000000e+00 : f32
    %broadcast_in_dim3A_9 = vector.broadcast %broadcast_in_dim3A_8 : f32 to vector<16xf32>
    %scan3A_10 = arith.constant 0 : i32
    %scan3A_11 = arith.constant 640 : i32
    %scan3A_12 = arith.addi %scan3A_10, %scan3A_11 : i32
    %scan3A_13 = arith.constant 1 : i32
    scf.for %scan3A_15 = %scan3A_10 to %scan3A_12 step %scan3A_13  : i32 {
      %mul3A_16 = arith.constant 1 : i32
      %mul3A_17 = arith.muli %scan3A_15, %mul3A_16 : i32
      %add3A_18 = arith.constant 0 : i32
      %add3A_19 = arith.addi %add3A_18, %mul3A_17 : i32
      %mul3A_20 = arith.constant 16 : i32
      %mul3A_21 = arith.muli %add3A_19, %mul3A_20 : i32
      %get3A = arith.index_cast %mul3A_21 : i32 to index
      %get3A_22 = tpu.vector_load %arg4[%get3A] {strides = array<i32>} : memref<10240xi32, #tpu.memory_space<vmem>>, vector<16xi32>,
      tpu.vector_store_idx %arg5[%get3A_22], %broadcast_in_dim3A_9 {add = true} : memref<10112xf32, #tpu.memory_space<vmem>>[vector<16xi32>], vector<16xf32>,
    }
    %scan3A_14 = arith.constant 640 : i32
    "tpu.region"() ({
      %run_scoped3A = tpu.sem_alloc : memref<!tpu.dma_semaphore, #tpu.memory_space<semaphore_mem>>
      %dma_start3A = arith.constant 0 : i32
      %dma_start3A_15 = tpu.memref_slice %arg3[%add3A, %dma_start3A] : memref<32x10112xf32, #tpu.memory_space<hbm>> -> memref<1x10112xf32, #tpu.memory_space<hbm>>
      %dma_start3A_16 = tpu.memref_squeeze %dma_start3A_15 : memref<1x10112xf32, #tpu.memory_space<hbm>> -> memref<10112xf32, #tpu.memory_space<hbm>>
      %dma_start3A_17 = arith.constant 0 : i32
      %dma_start3A_18 = tpu.memref_slice %arg3[%add3A, %dma_start3A_17] : memref<32x10112xf32, #tpu.memory_space<hbm>> -> memref<1x10112xf32, #tpu.memory_space<hbm>>
      %dma_start3A_19 = tpu.memref_squeeze %dma_start3A_18 : memref<1x10112xf32, #tpu.memory_space<hbm>> -> memref<10112xf32, #tpu.memory_space<hbm>>
      tpu.enqueue_dma source(%arg5 : memref<10112xf32, #tpu.memory_space<vmem>>) target(%dma_start3A_19 : memref<10112xf32, #tpu.memory_space<hbm>>) target_semaphore(%run_scoped3A : memref<!tpu.dma_semaphore, #tpu.memory_space<semaphore_mem>>)
      %dma_wait3A = arith.constant 0 : i32
      %dma_wait3A_20 = tpu.memref_slice %arg3[%add3A, %dma_wait3A] : memref<32x10112xf32, #tpu.memory_space<hbm>> -> memref<1x10112xf32, #tpu.memory_space<hbm>>
      %dma_wait3A_21 = tpu.memref_squeeze %dma_wait3A_20 : memref<1x10112xf32, #tpu.memory_space<hbm>> -> memref<10112xf32, #tpu.memory_space<hbm>>
      %dma_wait3A_22 = arith.constant 0 : i32
      %dma_wait3A_23 = tpu.memref_slice %arg3[%add3A, %dma_wait3A_22] : memref<32x10112xf32, #tpu.memory_space<hbm>> -> memref<1x10112xf32, #tpu.memory_space<hbm>>
      %dma_wait3A_24 = tpu.memref_squeeze %dma_wait3A_23 : memref<1x10112xf32, #tpu.memory_space<hbm>> -> memref<10112xf32, #tpu.memory_space<hbm>>
      tpu.wait_dma2 semaphore(%run_scoped3A : memref<!tpu.dma_semaphore, #tpu.memory_space<semaphore_mem>>) src(%arg5 : memref<10112xf32, #tpu.memory_space<vmem>>) dst(%dma_wait3A_24 : memref<10112xf32, #tpu.memory_space<hbm>>)
      tpu.yield
    }) : () -> ()
    return
  }
}

</mosaic_0001>

<sc_bundles>
// kernel: _sc_degree.3.cloned.1.call-start
scs
__scs_entry_jumppad:
0x0: {  	(pc) =	sbr.rel $0x88, $3  }
0x1: {  	(tag) =	ssettag $0x0;
	lr =	simm.s32 $0x1  }
0x2: {  	[smem:$0x3FA0] =	sst lr;
	_ =	strace $0xD0000000  }
0x3: {  	_ = 	snop  }
0x4: {  	_ = 	snop  }
0x5: {  	_ = 	snop  }
0x6: {  	_ = 	snop  }
0x7: {  	_ = 	snop  }
__scs_overlays_trampoline_lowered:
0x8: {  	[smem:$0x3FAF] =	sst s0  }
0x9: {  	[smem:$0x3FB0] =	sst s1  }
0xa: {  	[smem:$0x3FB1] =	sst s2  }
0xb: {  	[smem:$0x3FB2] =	sst s3  }
0xc: {  	[smem:$0x3FB3] =	sst s4  }
0xd: {  	[smem:$0x3FB4] =	sst s5  }
0xe: {  	[smem:$0x3FB5] =	sst s6  }
0xf: {  	[smem:$0x3FB6] =	sst s7  }
0x10: {  	[smem:$0x3FB7] =	sst s8  }
0x11: {  	[smem:$0x3FB8] =	sst s9;
	s0 =	simm.s32 @!p0 $0x0  }
0x12: {  	s1 =	sld [smem:$0x3F9E];
	s0 =	simm.s32 @p0 $0x1  }
0x13: {  	[smem:$0x3FB9] =	sst s0;
	s0 =	simm.s32 @!p1 $0x0  }
0x14: {  	s2 =	sld [smem:$0x3F9D];
	s0 =	simm.s32 @p1 $0x1  }
0x15: {  	[smem:$0x3FBA] =	sst s0;
	s0 =	simm.s32 @!p2 $0x0  }
0x16: {  	s3 =	sld [smem:$0x3FDB];
	s0 =	simm.s32 @p2 $0x1  }
0x17: {  	s4 =	simm.s32 $0x1BF5;
	[smem:$0x3FBC] =	sst s0  }
0x18: {  	s0 =	sld [smem:$0x3F9F];
	_ =	swait.ge [sflag:s4], $0x0  }
0x19: {  	s7 =	sld [smem:$0x3FA0]  }
0x1a: {  	s8 =	sadd.s32 $0xFFFFE003, lr  }
0x1b: {  	s9 =	sadd.s32 $0xFFFFFEF7, lr;
	s5 =	simm.s32 $0xFFFFFFFF;
	p2 =	slt.u32 s8, $0xFFFFF086  }
0x1c: {  	p1 =	slt.u32 s9, $0xF7A;
	s5 =	simm.s32 @!p2 $0x0  }
0x1d: {  	s5 =	simm.s32 @p1 $0x1;
	p0 =	seq.s32 s7, s2  }
0x1e: {  	s7 =	smul.u32 @!p0 $0xF7A, s2;
	p2 =	seq.s32 @!p0 s5, $0x0  }
0x1f: {  	s9 =	smul.u32 $0xF7A, s1;
	s8 =	simm.s32 @!p0 $0x1BF5;
	p2 =	por !p2, p0  }
0x20: {  	[sflag:s8] =	ssyncset.s32 @!p0 $0xFFFFF086;
	s6 =	sadd.s32 @!p0 s3, s7;
	s7 =	simm.s32 @!p0 $0x108  }
0x21: {  	s3 =	sadd.s32 s3, s9;
	s6 =	sadd.s32 @!p0 $0x88, s6;
	s7 =	simm.s32 @p2 $0x1082  }
0x22: {  	[simem:s7], [sflag:s8] =	dma.local @!p0 [hbm:s6], $0xF7A  }
0x23: {  	s9 =	sor.u32 $0xD0000000, s2;
	s6 =	simm.s32 $0x108;
	_ =	swait.ge @!p0 [sflag:s8], $0x0  }
0x24: {  	s3 =	sadd.s32 $0x88, s3;
	s6 =	simm.s32 @!p1 $0x1082;
	[sflag:s4] =	ssyncset.s32 $0xFFFFF086  }
0x25: {  	[simem:s6], [sflag:s4] =	dma.local [hbm:s3], $0xF7A  }
0x26: {  	[smem:$0x3FA0] =	sst s1;
	(tag) =	ssettag s2;
	_ =	strace s9  }
0x27: {  	s1 =	sld [smem:$0x3FB0]  }
0x28: {  	s2 =	sld [smem:$0x3FB1]  }
0x29: {  	s4 =	sld [smem:$0x3FB3]  }
0x2a: {  	p0 =	seq.s32 s5, $0x0;
	s5 =	sld [smem:$0x3FB4]  }
0x2b: {  	s6 =	sld [smem:$0x3FB5]  }
0x2c: {  	s7 =	sld [smem:$0x3FB6]  }
0x2d: {  	s3 =	simm.s32 $0x108;
	s8 =	sld [smem:$0x3FB7]  }
0x2e: {  	s3 =	simm.s32 @!p0 $0x1082;
	s9 =	sld [smem:$0x3FB8]  }
0x2f: {  	lr =	sadd.s32 s0, s3;
	s0 =	sld [smem:$0x3FAF]  }
0x30: {  	s3 =	sld [smem:$0x3FB2]  }
0x31: {  	[smem:$0x3FBB] =	sst s10  }
0x32: {  	s10 =	sld [smem:$0x3FB9];
	_ =	sdelay $0x3  }
0x33: {  	p0 =	seq.s32 s10, $0x1;
	s10 =	sld [smem:$0x3FBB];
	_ =	sdelay $0x3  }
0x34: {  	[smem:$0x3FBB] =	sst s10  }
0x35: {  	s10 =	sld [smem:$0x3FBA];
	_ =	sdelay $0x3  }
0x36: {  	p1 =	seq.s32 s10, $0x1;
	s10 =	sld [smem:$0x3FBB];
	_ =	sdelay $0x3  }
0x37: {  	[smem:$0x3FBB] =	sst s10  }
0x38: {  	s10 =	sld [smem:$0x3FBC]  }
0x39: {  	_ = 	snop;
	(pc) =	sbr.ind lr, $3  }
0x3a: {  	_ = 	snop  }
0x3b: {  	_ = 	snop  }
0x3c: {  	p2 =	seq.s32 s10, $0x1;
	s10 =	sld [smem:$0x3FBB]  }
0x3d: {  	_ =	shalt  }
0x3e: {  	_ =	shalt  }
0x3f: {  	_ =	shalt  }
0x40: {  	_ =	shalt  }
0x41: {  	_ =	shalt  }
0x42: {  	_ =	shalt  }
0x43: {  	_ =	shalt  }
0x44: {  	_ =	shalt  }
0x45: {  	_ =	shalt  }
0x46: {  	_ =	shalt  }
0x47: {  	_ =	shalt  }
0x48: {  	_ =	shalt  }
0x49: {  	_ =	shalt  }
0x4a: {  	_ =	shalt  }
0x4b: {  	_ =	shalt  }
0x4c: {  	_ =	shalt  }
0x4d: {  	_ =	shalt  }
0x4e: {  	_ =	shalt  }
0x4f: {  	_ =	shalt  }
0x50: {  	_ =	shalt  }
0x51: {  	_ =	shalt  }
0x52: {  	_ =	shalt  }
0x53: {  	_ =	shalt  }
0x54: {  	_ =	shalt  }
0x55: {  	_ =	shalt  }
0x56: {  	_ =	shalt  }
0x57: {  	_ =	shalt  }
0x58: {  	_ =	shalt  }
0x59: {  	_ =	shalt  }
0x5a: {  	_ =	shalt  }
0x5b: {  	_ =	shalt  }
0x5c: {  	_ =	shalt  }
0x5d: {  	_ =	shalt  }
0x5e: {  	_ =	shalt  }
0x5f: {  	_ =	shalt  }
0x60: {  	_ =	shalt  }
0x61: {  	_ =	shalt  }
0x62: {  	_ =	shalt  }
0x63: {  	_ =	shalt  }
0x64: {  	_ =	shalt  }
0x65: {  	_ =	shalt  }
0x66: {  	_ =	shalt  }
0x67: {  	_ =	shalt  }
0x68: {  	_ =	shalt  }
0x69: {  	_ =	shalt  }
0x6a: {  	_ =	shalt  }
0x6b: {  	_ =	shalt  }
0x6c: {  	_ =	shalt  }
0x6d: {  	_ =	shalt  }
0x6e: {  	_ =	shalt  }
0x6f: {  	_ =	shalt  }
0x70: {  	_ =	shalt  }
0x71: {  	_ =	shalt  }
0x72: {  	_ =	shalt  }
0x73: {  	_ =	shalt  }
0x74: {  	_ =	shalt  }
0x75: {  	_ =	shalt  }
0x76: {  	_ =	shalt  }
0x77: {  	_ =	shalt  }
0x78: {  	_ =	shalt  }
0x79: {  	_ =	shalt  }
0x7a: {  	_ =	shalt  }
0x7b: {  	_ =	shalt  }
0x7c: {  	_ =	shalt  }
0x7d: {  	_ =	shalt  }
0x7e: {  	_ =	shalt  }
0x7f: {  	_ =	shalt  }
0x80: {  	_ =	shalt  }
0x81: {  	_ =	shalt  }
0x82: {  	_ =	shalt  }
0x83: {  	_ =	shalt  }
0x84: {  	_ =	shalt  }
0x85: {  	_ =	shalt  }
0x86: {  	_ =	shalt  }
0x87: {  	_ =	shalt  }
.Lfunc_end0:
.L_simem_size_0:
called_computation_lowered:
.L_overlay_start_0:
0x88: {  	s2 =	sld [smem:$0x3FD9]  }
0x89: {  	s3 =	sld [smem:$0x3FFE];
	_ =	sdelay $0x1  }
0x8a: {  	s1 =	srdreg.scid  }
0x8b: {  	s0 =	sand.u32 $0x1, s1  }
0x8c: {  	s18 =	sshll.u32 s0, $0xA;
	s2 =	sadd.s32 s3, s2  }
0x8d: {  	s2 =	sadd.s32 s2, s18  }
0x8e: {  	[smem:$0x3FC7] =	sst s2  }
0x8f: {  	_ = 	snop  }
0x90: {  	s2 =	sld [smem:$0x3FC9]  }
0x91: {  	s19 =	sld [smem:$0x3FD0];
	(tm) =	ssettm $0x1  }
0x92: {  	s4 =	sld [smem:$0x3FFB];
	_ =	sdelay $0x3  }
0x93: {  	_ =	strace s4  }
0x94: {  	s4 =	sld [smem:$0x3FFC];
	_ =	sdelay $0x3  }
0x95: {  	_ =	strace s4  }
0x96: {  	s4 =	sld [smem:$0x3FFD];
	_ =	sdelay $0x3  }
0x97: {  	_ =	strace s4  }
0x98: {  	_ =	strace $0x8FFFFFFF  }
0x99: {  	s20 =	sld [smem:$0x3FDB];
	_ =	sdelay $0x1  }
0x9a: {  	s5 =	simm.s32 $_scs_section_size  }
0x9b: {  	s6 =	simm.s32 $_size__tile_overlayer_lowered;
	s7 =	simm.s32 $_tile_overlayer_lowered  }
0x9c: {  	s23 =	simm.s32 $0x1BFF;
	s22 =	sshll.u32 s7, $0x1;
	s4 =	sadd.s32 s5, s20  }
0x9d: {  	s8 =	simm.s32 $0x0;
	s21 =	sshll.u32 s6, $0x1;
	s6 =	sadd.s32 s22, s4  }
0x9e: {  	[timem:s8], [sflag:s23] =	dma.local [hbm:s6], s21  }
0x9f: {  	_ =	swait.ge [sflag:s23], s21  }
0xa0: {  	s5 =	ssub.s32 $0x0, s21;
	[sflag:s23] =	ssyncset.done $0x0  }
0xa1: {  	[sflag:s23] =	ssyncadd.s32 s5;
	_ =	sdelay $0x1  }
0xa2: {  	s24 =	simm.s32 $0x1B8B  }
0xa3: {  	_ =	swait.ge [sflag:s24], $0x1  }
0xa4: {  	[sflag:s24] =	ssyncset.done $0x0  }
0xa5: {  	s25 =	simm.s32 $0x1B8E;
	[sflag:s24] =	ssyncadd.s32 $0xFFFFFFFF  }
0xa6: {  	s26 =	simm.s32 $execute0_lowered;
	[smem:$0x3FD2] =	sst s25  }
0xa7: {  	s5 =	sshll.u32 s26, $0x1;
	_ =	strace $0x80000046;
	[dreg:$0x1] =	wrdreg $0xFFFFFFFF  }
0xa8: {  	s28 =	simm.s32 $_size_execute0_lowered;
	s4 =	sadd.s32 s4, s5;
	[dreg:$0x0] =	wrdreg $0x0  }
0xa9: {  	s5 =	sshll.u32 s28, $0x1;
	[dreg:$0x2] =	wrdreg s4  }
0xaa: {  	[dreg:$0x3] =	wrdreg s5  }
0xab: {  	[dreg:$0x4] =	wrdreg $0xC0  }
0xac: {  	_ =	task [dreg:s8], $0x5FFFF  }
0xad: {  	[dreg:$0x1] =	wrdreg $0xFFFFFFFF  }
0xae: {  	[dreg:$0x0] =	wrdreg $0x60  }
0xaf: {  	[dreg:$0x2] =	wrdreg s2  }
0xb0: {  	[dreg:$0x3] =	wrdreg s19  }
0xb1: {  	[dreg:$0x4] =	wrdreg $0x9  }
0xb2: {  	_ =	task.clear_ibuf [dreg:s8], $0x5FFFF;
	_ =	strace $0x90000046  }
0xb3: {  	s29 =	simm.s32 $0x9;
	_ =	strace $0x80000048  }
0xb4: {  	_ =	swait.ge [sflag:s29], $0x1  }
0xb5: {  	[sflag:s29] =	ssyncadd.s32 $0xFFFFFFFF  }
0xb6: {  	_ =	strace $0x90000048  }
0xb7: {  	_ =	sfence  }
0xb8: {  	s30 =	sld [smem:$0x0];
	_ =	sdelay $0x2  }
0xb9: {  	s31 =	sshll.u32 s1, $0xD;
	s1 =	sshrl.u32 s1, $0x2  }
0xba: {  	s3 =	sand.u32 $0x4000, s31;
	s1 =	sadd.s32 s1, s30  }
0xbb: {  	s0 =	sor.u32 s3, s0;
	s1 =	sshll.u32 s1, $0x11  }
0xbc: {  	s0 =	sor.u32 s1, s0  }
0xbd: {  	s0 =	sadd.s32 $0x8F2B, s0  }
0xbe: {  	[sflag:s0] =	ssyncadd.remote.s32 $0x1  }
0xbf: {  	_ =	sfence.sel $0xFFFF  }
0xc0: {  	[dreg:$0x0] =	wrdreg $0xFFFFFFFF;
	(pc) =	sbr.abs _section_cstart, $3  }
0xc1: {  	[dreg:$0x1] =	wrdreg $0xFFFFFFFF  }
0xc2: {  	_ =	task.clear_ibuf [dreg:s8], $0x2FFFF;
	_ =	strace $0x9FFFFFFF  }
0xc3: {  	(tm) =	ssettm $0x7FFFFFFF  }
tec
execute0_lowered:
.L_overlay_start_1:
0x0: {  	(tag) =	ssettag $0x1  }
0x1: {  	s0 =	srdreg.scid;
	s4 =	rddreg [dreg:$0x0]  }
0x2: {  	s5 =	rddreg [dreg:$0x1];
	s3 =	sand.u32 $0x1, s0  }
0x3: {  	s2 =	simm.s32 $0x0;
	s0 =	stileid.u32;
	s1 =	sshll.u32 s3, $0x4  }
0x4: {  	[smem:$0x7FF] =	sst s2;
	s8 =	sshll.u32 s0, $0x7;
	s6 =	sor.u32 s0, s1  }
0x5: {  	s3 =	ssub.s32 $0x2, s3;
	s7 =	sshrl.u32 s6, $0x3;
	s6 =	smul.u32 $0x500, s6  }
0x6: {  	s1 =	rddreg [dreg:$0x2];
	s9 =	sshrl.u32 s3, $0x1;
	s7 =	smul.u32 $0x13C00, s7  }
0x7: {  	s8 =	sand.u32 $0x380, s8;
	_ =	strace $0x80000047;
	s30 =	ssub.s32 s3, s9  }
0x8: {  	s9 =	simm.s32 $0x400;
	s3 =	sadd.s32 s4, s6;
	s7 =	sor.u32 s8, s7  }
0x9: {  	s6 =	simm.s32 $0x1;
	s8 =	simm.s32 $0x80;
	s31 =	sshrl.u32 s7, $0x3  }
0xa: {  	v0 =	vimm.f32 $0.0e+00;
	v1 =	vimm.f32 $1.000000000e+00;
	s7 =	simm.s32 $0x2800;
	s4 =	sadd.s32 s5, s31;
	s5 =	smax.u32 s30, $0x1  }
.LBB2_1:
0xb: {  	s10 =	simm.s32 $0x40;
	s11 =	simm.s32 $0x0  }
.LBB2_2:
0xc: {  	p0 =	sne.s32 s10, $0x9DC0;
	[tilespmem:s11+$0x2800] =	vst v0;
	s11 =	smov.u32 s10;
	s10 =	sadd.s32 $0x40, s10  }
.Ltmp0:
0xd: {  	(pc) =	sbr.rel @p0 .LBB2_2-.Ltmp0, $2  }
0xe: {  	_ =	sdelay $0x2  }
0xf: {  	s11 =	sshra.s32 s11, $0x2  }
0x10: {  	[tilespmem:s11+$0x2800] =	vst v0;
	s10 =	simm.s32 $0x0  }
0x11: {  	[tilespmem:s10], [sflag:$0x1] =	stream.linear.gather [hbm4b:s3+s10], $0x2800, $0x38;
	[tilespmem:$0x4F80] =	vst v63  }
0x12: {  	_ =	swait.ge [sflag:s6], $0x2800  }
0x13: {  	[sflag:s6] =	ssyncset.done $0x0  }
0x14: {  	s11 =	simm.s32 $0x0;
	s10 =	simm.s32 $0x40;
	[sflag:s6] =	ssyncadd.s32 $0xFFFFD800  }
.LBB2_4:
0x15: {  	p0 =	sne.s32 s10, $0x9FC0;
	v2 =	vld [tilespmem:s11+$0x0];
	_ =	sdelay $0x3  }
.Ltmp1:
0x16: {  	(pc) =	sbr.rel @p0 .LBB2_4-.Ltmp1, $2  }
0x17: {  	_ =	sdelay $0x2  }
0x18: {  	s11 =	sshra.s32 s10, $0x2;
	s10 =	sadd.s32 $0x40, s10;
	[tilespmem:v2+s7+$0x0] =	vst.idx.add.f32.msk $0xffff, v1  }
0x19: {  	v2 =	vld [tilespmem:s11+$0x0];
	_ =	sdelay $0x5  }
0x1a: {  	s2 =	sadd.s32 $0x1, s2  }
0x1b: {  	p0 =	sne.s32 s2, s5  }
.Ltmp2:
0x1c: {  	[tilespmem:v2+s7+$0x0] =	vst.idx.add.f32.msk $0xffff, v1;
	(pc) =	sbr.rel @p0 .LBB2_1-.Ltmp2, $4  }
0x1d: {  	[hbm4b:s4+s8] =	stream.strided.scatter [tilespmem:s7], [sflag:$0x1], $0x2780, s9, s8, $0x38;
	[tilespmem:$0x4F80] =	vst v63  }
0x1e: {  	_ =	swait.ge [sflag:s6], $0x2780  }
0x1f: {  	[sflag:s6] =	ssyncset.done $0x0  }
0x20: {  	[sflag:s6] =	ssyncadd.s32 $0xFFFFD880  }
0x21: {  	_ =	sfence.sel $0x180000  }
0x22: {  	[bflag:$0x0] =	sbarrier.arrive $0xFFFF  }
0x23: {  	p0 =	sne.s32 s0, $0x0;
	_ =	strace $0x90000047  }
0x24: {  	s0 =	sadd.s32 @!p0 $0x100000, s1;
	[bflag:$0x2] =	sbarrier.arrive $0xFFFF  }
0x25: {  	[sflag:s0] =	ssyncadd.tile.s32 @!p0 $0x1;
	_ =	shalt  }
.Lfunc_end2:
_tile_overlayer_lowered:
.L_overlay_start_2:
0x26: {  	(tag) =	ssettag $0x2  }
0x27: {  	s0 =	rddreg [dreg:$0x0];
	s2 =	stileid.u32  }
0x28: {  	s1 =	rddreg [dreg:$0x1];
	p0 =	sne.s32 s2, $0x0  }
0x29: {  	s3 =	rddreg [dreg:$0x2];
	[bflag:$0x3] =	sbarrier.arrive $0xFFFF;
	s2 =	simm.s32 @!p0 $0x1C01  }
0x2a: {  	[timem:s3], [sflag:s2] =	dma.local @!p0 [hbm:s0], s1  }
0x2b: {  	s0 =	simm.s32 @!p0 $0x1  }
0x2c: {  	_ =	swait.ge @!p0 [sflag:s0], s1  }
0x2d: {  	s1 =	ssub.s32 @!p0 $0x0, s1;
	[sflag:s0] =	ssyncset.done @!p0 $0x0  }
0x2e: {  	[sflag:s0] =	ssyncadd.s32 @!p0 s1  }
0x2f: {  	[bflag:$0x3] =	sbarrier.arrive $0xFFFF  }
0x30: {  	_ =	shalt  }

</sc_bundles>
